<compile_context>
chip_gen: v7x
topology: tpu7x:2x2x1
jax: 0.10.2.dev20260603
libtpu: 0.0.44.dev20260713+nightly
codegen_flags: <defaults>
</compile_context>

<pallas_src>
import functools

import jax
import jax.numpy as jnp
from jax import lax
from jax.experimental import pallas as pl
from jax.experimental.pallas import tpu as pltpu
from jax.experimental.pallas import tpu_sc as plsc

_LN10 = 2.302585092994046

_ROWS = 128
_COLS = 128
_NW = 32
_RPW = _ROWS // _NW
_EPW = _RPW * _COLS
_LANES = 16


def _build():
    mesh = plsc.VectorSubcoreMesh(core_axis_name="c", subcore_axis_name="s")

    @functools.partial(
        pl.kernel,
        mesh=mesh,
        out_type=jax.ShapeDtypeStruct((_ROWS * _COLS,), jnp.float32),
        scratch_types=[
            pltpu.VMEM((_RPW, _COLS), jnp.int32),
            pltpu.VMEM((4 * _EPW,), jnp.float32),
            pltpu.SemaphoreType.DMA,
        ],
    )
    def k(ids_hbm, mu_hbm, ls_hbm, nz_hbm, out_hbm, idx_v, buf, sem):
        wid = lax.axis_index("s") * 2 + lax.axis_index("c")
        rbase = wid * _RPW
        ebase = wid * _EPW
        pltpu.async_copy(
            nz_hbm.at[pl.ds(ebase, _EPW)], buf.at[pl.ds(2 * _EPW, _EPW)], sem)
        pltpu.sync_copy(ids_hbm.at[pl.ds(rbase, _RPW)], idx_v)
        for r in range(_RPW):
            pltpu.async_copy(
                mu_hbm.at[idx_v.at[r]], buf.at[pl.ds(r * _COLS, _COLS)], sem)
            pltpu.async_copy(
                ls_hbm.at[idx_v.at[r]], buf.at[pl.ds(_EPW + r * _COLS, _COLS)], sem)
        pltpu.make_async_copy(
            mu_hbm.at[pl.ds(0, 3 * _EPW)], buf.at[pl.ds(0, 3 * _EPW)], sem).wait()

        def body(i, _):
            off = pl.multiple_of(i * _LANES, _LANES)
            m = buf[pl.ds(off, _LANES)]
            s = buf[pl.ds(_EPW + off, _LANES)]
            z = buf[pl.ds(2 * _EPW + off, _LANES)]
            buf[pl.ds(3 * _EPW + off, _LANES)] = jnp.exp((m + jnp.exp(s) * z) * _LN10)
            return _

        lax.fori_loop(0, _EPW // _LANES, body, 0, unroll=4)
        pltpu.sync_copy(
            buf.at[pl.ds(3 * _EPW, _EPW)], out_hbm.at[pl.ds(ebase, _EPW)])

    return k


_sc_kernel = _build()


def kernel(batch_size, family_ids, mu, log_sigma, noise):
    ids2 = family_ids.astype(jnp.int32).reshape(_ROWS, _COLS)
    out = _sc_kernel(ids2, mu, log_sigma, noise)
    return out

# --- scband reference (transcript-rebuilt; emitter-appended) ---
"""Pipeline reference for scband-log-normal-concentration-34875134443623 (READ-ONLY COPY).

The authoritative reference and input builder live on the scoring server;
editing this copy changes nothing except your own understanding.
"""

import jax, jax.numpy as jnp
import numpy as np

N_FAMILIES = 1000000
BATCH = 16384
INIT_MEAN = -6.0
INIT_SCALE = 1.0


def setup_inputs(seed: int = 0) -> dict:
    key = jax.random.key(seed)
    k1, k2 = jax.random.split(key)
    family_ids = jax.random.randint(k1, (BATCH,), 0, N_FAMILIES, dtype=jnp.int64 if jax.config.jax_enable_x64 else jnp.int32)
    # learned parameters per __init__
    mu = jnp.ones((N_FAMILIES,), dtype=jnp.float32) * INIT_MEAN
    log_sigma = jnp.ones((N_FAMILIES,), dtype=jnp.float32) * jnp.log(jnp.float32(INIT_SCALE))
    # reparameterization noise (eps for rsample), fixed for determinism
    noise = jax.random.normal(k2, (BATCH,), dtype=jnp.float32)
    return {
        "batch_size": BATCH,
        "family_ids": family_ids,
        "mu": mu,
        "log_sigma": log_sigma,
        "noise": noise,
    }


def reference(batch_size, family_ids, mu, log_sigma, noise):
    # gather per-family parameters (embedding lookup)
    batch_mu = jnp.take(mu, family_ids, axis=0)
    batch_sigma = jnp.exp(jnp.take(log_sigma, family_ids, axis=0))
    # reparameterized sample: log_c = mu + sigma * eps
    log_c = batch_mu + batch_sigma * noise
    return jnp.power(10.0, log_c)

if __name__ == "__main__":
    import jax
    _d = setup_inputs()
    print(jax.jit(kernel)(*tuple(_d.values())))

</pallas_src>

<mosaic_0001>
#map = affine_map<(d0, d1) -> (0, 0)>
#map1 = affine_map<(d0, d1) -> (0)>
module attributes {stable_mosaic.version = 14 : i64} {
  func.func @k(%arg0: i32, %arg1: i32, %arg2: memref<128x128xi32, #tpu.memory_space<hbm>>, %arg3: memref<1000000xf32, #tpu.memory_space<hbm>>, %arg4: memref<1000000xf32, #tpu.memory_space<hbm>>, %arg5: memref<16384xf32, #tpu.memory_space<hbm>>, %arg6: memref<16384xf32, #tpu.memory_space<hbm>>, %arg7: memref<4x128xi32, #tpu.memory_space<vmem>>, %arg8: memref<2048xf32, #tpu.memory_space<vmem>>, %arg9: memref<!tpu.dma_semaphore, #tpu.memory_space<semaphore_mem>>) attributes {dimension_semantics = [#tpu.dimension_semantics<core_parallel>, #tpu.dimension_semantics<subcore_parallel>], iteration_bounds = array<i64: 2, 16>, scalar_prefetch = 0 : i64, scratch_operands = 3 : i64, tpu.core_type = #tpu.core_type<sc_vector_subcore>, window_params = [{transform_indices = #map}, {transform_indices = #map1}, {transform_indices = #map1}, {transform_indices = #map1}, {transform_indices = #map1}]} {
    %mul3A = arith.constant 2 : i32
    %mul3A_0 = arith.muli %arg1, %mul3A : i32
    %add3A = arith.addi %mul3A_0, %arg0 : i32
    %mul3A_1 = arith.constant 4 : i32
    %mul3A_2 = arith.muli %add3A, %mul3A_1 : i32
    %mul3A_3 = arith.constant 512 : i32
    %mul3A_4 = arith.muli %add3A, %mul3A_3 : i32
    %dma_start3A = arith.constant 1024 : i32
    %dma_start3A_5 = tpu.memref_slice %arg8[%dma_start3A] : memref<2048xf32, #tpu.memory_space<vmem>> -> memref<512xf32, #tpu.memory_space<vmem>>
    %dma_start3A_6 = tpu.memref_slice %arg5[%mul3A_4] : memref<16384xf32, #tpu.memory_space<hbm>> -> memref<512xf32, #tpu.memory_space<hbm>>
    %dma_start3A_7 = arith.constant 1024 : i32
    %dma_start3A_8 = tpu.memref_slice %arg8[%dma_start3A_7] : memref<2048xf32, #tpu.memory_space<vmem>> -> memref<512xf32, #tpu.memory_space<vmem>>
    %dma_start3A_9 = tpu.memref_slice %arg5[%mul3A_4] : memref<16384xf32, #tpu.memory_space<hbm>> -> memref<512xf32, #tpu.memory_space<hbm>>
    tpu.enqueue_dma source(%dma_start3A_9 : memref<512xf32, #tpu.memory_space<hbm>>) target(%dma_start3A_8 : memref<512xf32, #tpu.memory_space<vmem>>) target_semaphore(%arg9 : memref<!tpu.dma_semaphore, #tpu.memory_space<semaphore_mem>>)
    "tpu.region"() ({
      %run_scoped3A = tpu.sem_alloc : memref<!tpu.dma_semaphore, #tpu.memory_space<semaphore_mem>>
      %dma_start3A_86 = arith.constant 0 : i32
      %dma_start3A_87 = tpu.memref_slice %arg2[%mul3A_2, %dma_start3A_86] : memref<128x128xi32, #tpu.memory_space<hbm>> -> memref<4x128xi32, #tpu.memory_space<hbm>>
      %dma_start3A_88 = arith.constant 0 : i32
      %dma_start3A_89 = tpu.memref_slice %arg2[%mul3A_2, %dma_start3A_88] : memref<128x128xi32, #tpu.memory_space<hbm>> -> memref<4x128xi32, #tpu.memory_space<hbm>>
      tpu.enqueue_dma source(%dma_start3A_89 : memref<4x128xi32, #tpu.memory_space<hbm>>) target(%arg7 : memref<4x128xi32, #tpu.memory_space<vmem>>) target_semaphore(%run_scoped3A : memref<!tpu.dma_semaphore, #tpu.memory_space<semaphore_mem>>)
      %dma_wait3A_90 = arith.constant 0 : i32
      %dma_wait3A_91 = tpu.memref_slice %arg2[%mul3A_2, %dma_wait3A_90] : memref<128x128xi32, #tpu.memory_space<hbm>> -> memref<4x128xi32, #tpu.memory_space<hbm>>
      %dma_wait3A_92 = arith.constant 0 : i32
      %dma_wait3A_93 = tpu.memref_slice %arg2[%mul3A_2, %dma_wait3A_92] : memref<128x128xi32, #tpu.memory_space<hbm>> -> memref<4x128xi32, #tpu.memory_space<hbm>>
      tpu.wait_dma2 semaphore(%run_scoped3A : memref<!tpu.dma_semaphore, #tpu.memory_space<semaphore_mem>>) src(%dma_wait3A_93 : memref<4x128xi32, #tpu.memory_space<hbm>>) dst(%arg7 : memref<4x128xi32, #tpu.memory_space<vmem>>)
      tpu.yield
    }) : () -> ()
    %dma_start3A_10 = arith.constant 0 : i32
    %dma_start3A_11 = arith.constant 0 : i32
    %dma_start3A_12 = tpu.memref_slice %arg8[%dma_start3A_11] : memref<2048xf32, #tpu.memory_space<vmem>> -> memref<128xf32, #tpu.memory_space<vmem>>
    %dma_start3A_13 = arith.constant 0 : i32
    %dma_start3A_14 = tpu.memref_slice %arg7[%dma_start3A_10, %dma_start3A_13] : memref<4x128xi32, #tpu.memory_space<vmem>> -> memref<1x128xi32, #tpu.memory_space<vmem>>
    %dma_start3A_15 = tpu.memref_squeeze %dma_start3A_14 : memref<1x128xi32, #tpu.memory_space<vmem>> -> memref<128xi32, #tpu.memory_space<vmem>>
    %dma_start3A_16 = arith.constant 0 : i32
    %dma_start3A_17 = tpu.memref_slice %arg3[%dma_start3A_16] : memref<1000000xf32, #tpu.memory_space<hbm>> -> memref<1000000xf32, #tpu.memory_space<hbm>>
    tpu.enqueue_indirect_dma source(%dma_start3A_17 : memref<1000000xf32, #tpu.memory_space<hbm>>) target(%dma_start3A_12 : memref<128xf32, #tpu.memory_space<vmem>>) offsets(%dma_start3A_15 : memref<128xi32, #tpu.memory_space<vmem>>) semaphore(%arg9 : memref<!tpu.dma_semaphore, #tpu.memory_space<semaphore_mem>>)
    %dma_start3A_18 = arith.constant 0 : i32
    %dma_start3A_19 = arith.constant 512 : i32
    %dma_start3A_20 = tpu.memref_slice %arg8[%dma_start3A_19] : memref<2048xf32, #tpu.memory_space<vmem>> -> memref<128xf32, #tpu.memory_space<vmem>>
    %dma_start3A_21 = arith.constant 0 : i32
    %dma_start3A_22 = tpu.memref_slice %arg7[%dma_start3A_18, %dma_start3A_21] : memref<4x128xi32, #tpu.memory_space<vmem>> -> memref<1x128xi32, #tpu.memory_space<vmem>>
    %dma_start3A_23 = tpu.memref_squeeze %dma_start3A_22 : memref<1x128xi32, #tpu.memory_space<vmem>> -> memref<128xi32, #tpu.memory_space<vmem>>
    %dma_start3A_24 = arith.constant 0 : i32
    %dma_start3A_25 = tpu.memref_slice %arg4[%dma_start3A_24] : memref<1000000xf32, #tpu.memory_space<hbm>> -> memref<1000000xf32, #tpu.memory_space<hbm>>
    tpu.enqueue_indirect_dma source(%dma_start3A_25 : memref<1000000xf32, #tpu.memory_space<hbm>>) target(%dma_start3A_20 : memref<128xf32, #tpu.memory_space<vmem>>) offsets(%dma_start3A_23 : memref<128xi32, #tpu.memory_space<vmem>>) semaphore(%arg9 : memref<!tpu.dma_semaphore, #tpu.memory_space<semaphore_mem>>)
    %dma_start3A_26 = arith.constant 1 : i32
    %dma_start3A_27 = arith.constant 128 : i32
    %dma_start3A_28 = tpu.memref_slice %arg8[%dma_start3A_27] : memref<2048xf32, #tpu.memory_space<vmem>> -> memref<128xf32, #tpu.memory_space<vmem>>
    %dma_start3A_29 = arith.constant 0 : i32
    %dma_start3A_30 = tpu.memref_slice %arg7[%dma_start3A_26, %dma_start3A_29] : memref<4x128xi32, #tpu.memory_space<vmem>> -> memref<1x128xi32, #tpu.memory_space<vmem>>
    %dma_start3A_31 = tpu.memref_squeeze %dma_start3A_30 : memref<1x128xi32, #tpu.memory_space<vmem>> -> memref<128xi32, #tpu.memory_space<vmem>>
    %dma_start3A_32 = arith.constant 0 : i32
    %dma_start3A_33 = tpu.memref_slice %arg3[%dma_start3A_32] : memref<1000000xf32, #tpu.memory_space<hbm>> -> memref<1000000xf32, #tpu.memory_space<hbm>>
    tpu.enqueue_indirect_dma source(%dma_start3A_33 : memref<1000000xf32, #tpu.memory_space<hbm>>) target(%dma_start3A_28 : memref<128xf32, #tpu.memory_space<vmem>>) offsets(%dma_start3A_31 : memref<128xi32, #tpu.memory_space<vmem>>) semaphore(%arg9 : memref<!tpu.dma_semaphore, #tpu.memory_space<semaphore_mem>>)
    %dma_start3A_34 = arith.constant 1 : i32
    %dma_start3A_35 = arith.constant 640 : i32
    %dma_start3A_36 = tpu.memref_slice %arg8[%dma_start3A_35] : memref<2048xf32, #tpu.memory_space<vmem>> -> memref<128xf32, #tpu.memory_space<vmem>>
    %dma_start3A_37 = arith.constant 0 : i32
    %dma_start3A_38 = tpu.memref_slice %arg7[%dma_start3A_34, %dma_start3A_37] : memref<4x128xi32, #tpu.memory_space<vmem>> -> memref<1x128xi32, #tpu.memory_space<vmem>>
    %dma_start3A_39 = tpu.memref_squeeze %dma_start3A_38 : memref<1x128xi32, #tpu.memory_space<vmem>> -> memref<128xi32, #tpu.memory_space<vmem>>
    %dma_start3A_40 = arith.constant 0 : i32
    %dma_start3A_41 = tpu.memref_slice %arg4[%dma_start3A_40] : memref<1000000xf32, #tpu.memory_space<hbm>> -> memref<1000000xf32, #tpu.memory_space<hbm>>
    tpu.enqueue_indirect_dma source(%dma_start3A_41 : memref<1000000xf32, #tpu.memory_space<hbm>>) target(%dma_start3A_36 : memref<128xf32, #tpu.memory_space<vmem>>) offsets(%dma_start3A_39 : memref<128xi32, #tpu.memory_space<vmem>>) semaphore(%arg9 : memref<!tpu.dma_semaphore, #tpu.memory_space<semaphore_mem>>)
    %dma_start3A_42 = arith.constant 2 : i32
    %dma_start3A_43 = arith.constant 256 : i32
    %dma_start3A_44 = tpu.memref_slice %arg8[%dma_start3A_43] : memref<2048xf32, #tpu.memory_space<vmem>> -> memref<128xf32, #tpu.memory_space<vmem>>
    %dma_start3A_45 = arith.constant 0 : i32
    %dma_start3A_46 = tpu.memref_slice %arg7[%dma_start3A_42, %dma_start3A_45] : memref<4x128xi32, #tpu.memory_space<vmem>> -> memref<1x128xi32, #tpu.memory_space<vmem>>
    %dma_start3A_47 = tpu.memref_squeeze %dma_start3A_46 : memref<1x128xi32, #tpu.memory_space<vmem>> -> memref<128xi32, #tpu.memory_space<vmem>>
    %dma_start3A_48 = arith.constant 0 : i32
    %dma_start3A_49 = tpu.memref_slice %arg3[%dma_start3A_48] : memref<1000000xf32, #tpu.memory_space<hbm>> -> memref<1000000xf32, #tpu.memory_space<hbm>>
    tpu.enqueue_indirect_dma source(%dma_start3A_49 : memref<1000000xf32, #tpu.memory_space<hbm>>) target(%dma_start3A_44 : memref<128xf32, #tpu.memory_space<vmem>>) offsets(%dma_start3A_47 : memref<128xi32, #tpu.memory_space<vmem>>) semaphore(%arg9 : memref<!tpu.dma_semaphore, #tpu.memory_space<semaphore_mem>>)
    %dma_start3A_50 = arith.constant 2 : i32
    %dma_start3A_51 = arith.constant 768 : i32
    %dma_start3A_52 = tpu.memref_slice %arg8[%dma_start3A_51] : memref<2048xf32, #tpu.memory_space<vmem>> -> memref<128xf32, #tpu.memory_space<vmem>>
    %dma_start3A_53 = arith.constant 0 : i32
    %dma_start3A_54 = tpu.memref_slice %arg7[%dma_start3A_50, %dma_start3A_53] : memref<4x128xi32, #tpu.memory_space<vmem>> -> memref<1x128xi32, #tpu.memory_space<vmem>>
    %dma_start3A_55 = tpu.memref_squeeze %dma_start3A_54 : memref<1x128xi32, #tpu.memory_space<vmem>> -> memref<128xi32, #tpu.memory_space<vmem>>
    %dma_start3A_56 = arith.constant 0 : i32
    %dma_start3A_57 = tpu.memref_slice %arg4[%dma_start3A_56] : memref<1000000xf32, #tpu.memory_space<hbm>> -> memref<1000000xf32, #tpu.memory_space<hbm>>
    tpu.enqueue_indirect_dma source(%dma_start3A_57 : memref<1000000xf32, #tpu.memory_space<hbm>>) target(%dma_start3A_52 : memref<128xf32, #tpu.memory_space<vmem>>) offsets(%dma_start3A_55 : memref<128xi32, #tpu.memory_space<vmem>>) semaphore(%arg9 : memref<!tpu.dma_semaphore, #tpu.memory_space<semaphore_mem>>)
    %dma_start3A_58 = arith.constant 3 : i32
    %dma_start3A_59 = arith.constant 384 : i32
    %dma_start3A_60 = tpu.memref_slice %arg8[%dma_start3A_59] : memref<2048xf32, #tpu.memory_space<vmem>> -> memref<128xf32, #tpu.memory_space<vmem>>
    %dma_start3A_61 = arith.constant 0 : i32
    %dma_start3A_62 = tpu.memref_slice %arg7[%dma_start3A_58, %dma_start3A_61] : memref<4x128xi32, #tpu.memory_space<vmem>> -> memref<1x128xi32, #tpu.memory_space<vmem>>
    %dma_start3A_63 = tpu.memref_squeeze %dma_start3A_62 : memref<1x128xi32, #tpu.memory_space<vmem>> -> memref<128xi32, #tpu.memory_space<vmem>>
    %dma_start3A_64 = arith.constant 0 : i32
    %dma_start3A_65 = tpu.memref_slice %arg3[%dma_start3A_64] : memref<1000000xf32, #tpu.memory_space<hbm>> -> memref<1000000xf32, #tpu.memory_space<hbm>>
    tpu.enqueue_indirect_dma source(%dma_start3A_65 : memref<1000000xf32, #tpu.memory_space<hbm>>) target(%dma_start3A_60 : memref<128xf32, #tpu.memory_space<vmem>>) offsets(%dma_start3A_63 : memref<128xi32, #tpu.memory_space<vmem>>) semaphore(%arg9 : memref<!tpu.dma_semaphore, #tpu.memory_space<semaphore_mem>>)
    %dma_start3A_66 = arith.constant 3 : i32
    %dma_start3A_67 = arith.constant 896 : i32
    %dma_start3A_68 = tpu.memref_slice %arg8[%dma_start3A_67] : memref<2048xf32, #tpu.memory_space<vmem>> -> memref<128xf32, #tpu.memory_space<vmem>>
    %dma_start3A_69 = arith.constant 0 : i32
    %dma_start3A_70 = tpu.memref_slice %arg7[%dma_start3A_66, %dma_start3A_69] : memref<4x128xi32, #tpu.memory_space<vmem>> -> memref<1x128xi32, #tpu.memory_space<vmem>>
    %dma_start3A_71 = tpu.memref_squeeze %dma_start3A_70 : memref<1x128xi32, #tpu.memory_space<vmem>> -> memref<128xi32, #tpu.memory_space<vmem>>
    %dma_start3A_72 = arith.constant 0 : i32
    %dma_start3A_73 = tpu.memref_slice %arg4[%dma_start3A_72] : memref<1000000xf32, #tpu.memory_space<hbm>> -> memref<1000000xf32, #tpu.memory_space<hbm>>
    tpu.enqueue_indirect_dma source(%dma_start3A_73 : memref<1000000xf32, #tpu.memory_space<hbm>>) target(%dma_start3A_68 : memref<128xf32, #tpu.memory_space<vmem>>) offsets(%dma_start3A_71 : memref<128xi32, #tpu.memory_space<vmem>>) semaphore(%arg9 : memref<!tpu.dma_semaphore, #tpu.memory_space<semaphore_mem>>)
    %dma_wait3A = arith.constant 0 : i32
    %dma_wait3A_74 = tpu.memref_slice %arg8[%dma_wait3A] : memref<2048xf32, #tpu.memory_space<vmem>> -> memref<1536xf32, #tpu.memory_space<vmem>>
    %dma_wait3A_75 = arith.constant 0 : i32
    %dma_wait3A_76 = tpu.memref_slice %arg3[%dma_wait3A_75] : memref<1000000xf32, #tpu.memory_space<hbm>> -> memref<1536xf32, #tpu.memory_space<hbm>>
    %dma_wait3A_77 = arith.constant 0 : i32
    %dma_wait3A_78 = tpu.memref_slice %arg8[%dma_wait3A_77] : memref<2048xf32, #tpu.memory_space<vmem>> -> memref<1536xf32, #tpu.memory_space<vmem>>
    %dma_wait3A_79 = arith.constant 0 : i32
    %dma_wait3A_80 = tpu.memref_slice %arg3[%dma_wait3A_79] : memref<1000000xf32, #tpu.memory_space<hbm>> -> memref<1536xf32, #tpu.memory_space<hbm>>
    tpu.wait_dma2 semaphore(%arg9 : memref<!tpu.dma_semaphore, #tpu.memory_space<semaphore_mem>>) src(%dma_wait3A_80 : memref<1536xf32, #tpu.memory_space<hbm>>) dst(%dma_wait3A_78 : memref<1536xf32, #tpu.memory_space<vmem>>)
    %scan3A = arith.constant 0 : i32
    %scan3A_81 = arith.constant 0 : i32
    %scan3A_82 = arith.constant 32 : i32
    %scan3A_83 = arith.addi %scan3A_81, %scan3A_82 : i32
    %scan3A_84 = arith.constant 4 : i32
    scf.for %scan3A_86 = %scan3A_81 to %scan3A_83 step %scan3A_84  : i32 {
      %mul3A_87 = arith.constant 16 : i32
      %mul3A_88 = arith.muli %scan3A_86, %mul3A_87 : i32
      %multiple_of3A = tpu.assume_multiple %mul3A_88, 16 : i32
      %get3A = arith.index_cast %multiple_of3A : i32 to index
      %get3A_89 = tpu.vector_load %arg8[%get3A] {strides = array<i32>} : memref<2048xf32, #tpu.memory_space<vmem>>, vector<16xf32>,
      %get3A_90 = vector.shape_cast %get3A_89 : vector<16xf32> to vector<16xf32>
      %add3A_91 = arith.constant 512 : i32
      %add3A_92 = arith.addi %add3A_91, %multiple_of3A : i32
      %get3A_93 = arith.index_cast %add3A_92 : i32 to index
      %get3A_94 = tpu.vector_load %arg8[%get3A_93] {strides = array<i32>} : memref<2048xf32, #tpu.memory_space<vmem>>, vector<16xf32>,
      %get3A_95 = vector.shape_cast %get3A_94 : vector<16xf32> to vector<16xf32>
      %add3A_96 = arith.constant 1024 : i32
      %add3A_97 = arith.addi %add3A_96, %multiple_of3A : i32
      %get3A_98 = arith.index_cast %add3A_97 : i32 to index
      %get3A_99 = tpu.vector_load %arg8[%get3A_98] {strides = array<i32>} : memref<2048xf32, #tpu.memory_space<vmem>>, vector<16xf32>,
      %get3A_100 = vector.shape_cast %get3A_99 : vector<16xf32> to vector<16xf32>
      %exp3A = math.exp %get3A_95 : vector<16xf32>
      %mul3A_101 = arith.mulf %exp3A, %get3A_100 : vector<16xf32>
      %add3A_102 = arith.addf %get3A_90, %mul3A_101 : vector<16xf32>
      %mul3A_103 = arith.constant 2.30258512 : f32
      %mul3A_104 = vector.broadcast %mul3A_103 : f32 to vector<16xf32>
      %mul3A_105 = arith.mulf %add3A_102, %mul3A_104 : vector<16xf32>
      %exp3A_106 = math.exp %mul3A_105 : vector<16xf32>
      %add3A_107 = arith.constant 1536 : i32
      %add3A_108 = arith.addi %add3A_107, %multiple_of3A : i32
      %swap3A = arith.index_cast %add3A_108 : i32 to index
      %swap3A_109 = tpu.vector_load %arg8[%swap3A] {strides = array<i32>} : memref<2048xf32, #tpu.memory_space<vmem>>, vector<16xf32>,
      %swap3A_110 = vector.shape_cast %swap3A_109 : vector<16xf32> to vector<16xf32>
      %swap3A_111 = vector.shape_cast %exp3A_106 : vector<16xf32> to vector<16xf32>
      tpu.vector_store %arg8[%swap3A], %swap3A_111 {strides = array<i32>} : memref<2048xf32, #tpu.memory_space<vmem>>, vector<16xf32>,
      %scan3A_112 = arith.constant 1 : i32
      %scan3A_113 = arith.addi %scan3A_86, %scan3A_112 : i32
      %mul3A_114 = arith.constant 16 : i32
      %mul3A_115 = arith.muli %scan3A_113, %mul3A_114 : i32
      %multiple_of3A_116 = tpu.assume_multiple %mul3A_115, 16 : i32
      %get3A_117 = arith.index_cast %multiple_of3A_116 : i32 to index
      %get3A_118 = tpu.vector_load %arg8[%get3A_117] {strides = array<i32>} : memref<2048xf32, #tpu.memory_space<vmem>>, vector<16xf32>,
      %get3A_119 = vector.shape_cast %get3A_118 : vector<16xf32> to vector<16xf32>
      %add3A_120 = arith.constant 512 : i32
      %add3A_121 = arith.addi %add3A_120, %multiple_of3A_116 : i32
      %get3A_122 = arith.index_cast %add3A_121 : i32 to index
      %get3A_123 = tpu.vector_load %arg8[%get3A_122] {strides = array<i32>} : memref<2048xf32, #tpu.memory_space<vmem>>, vector<16xf32>,
      %get3A_124 = vector.shape_cast %get3A_123 : vector<16xf32> to vector<16xf32>
      %add3A_125 = arith.constant 1024 : i32
      %add3A_126 = arith.addi %add3A_125, %multiple_of3A_116 : i32
      %get3A_127 = arith.index_cast %add3A_126 : i32 to index
      %get3A_128 = tpu.vector_load %arg8[%get3A_127] {strides = array<i32>} : memref<2048xf32, #tpu.memory_space<vmem>>, vector<16xf32>,
      %get3A_129 = vector.shape_cast %get3A_128 : vector<16xf32> to vector<16xf32>
      %exp3A_130 = math.exp %get3A_124 : vector<16xf32>
      %mul3A_131 = arith.mulf %exp3A_130, %get3A_129 : vector<16xf32>
      %add3A_132 = arith.addf %get3A_119, %mul3A_131 : vector<16xf32>
      %mul3A_133 = arith.constant 2.30258512 : f32
      %mul3A_134 = vector.broadcast %mul3A_133 : f32 to vector<16xf32>
      %mul3A_135 = arith.mulf %add3A_132, %mul3A_134 : vector<16xf32>
      %exp3A_136 = math.exp %mul3A_135 : vector<16xf32>
      %add3A_137 = arith.constant 1536 : i32
      %add3A_138 = arith.addi %add3A_137, %multiple_of3A_116 : i32
      %swap3A_139 = arith.index_cast %add3A_138 : i32 to index
      %swap3A_140 = tpu.vector_load %arg8[%swap3A_139] {strides = array<i32>} : memref<2048xf32, #tpu.memory_space<vmem>>, vector<16xf32>,
      %swap3A_141 = vector.shape_cast %swap3A_140 : vector<16xf32> to vector<16xf32>
      %swap3A_142 = vector.shape_cast %exp3A_136 : vector<16xf32> to vector<16xf32>
      tpu.vector_store %arg8[%swap3A_139], %swap3A_142 {strides = array<i32>} : memref<2048xf32, #tpu.memory_space<vmem>>, vector<16xf32>,
      %scan3A_143 = arith.constant 2 : i32
      %scan3A_144 = arith.addi %scan3A_86, %scan3A_143 : i32
      %mul3A_145 = arith.constant 16 : i32
      %mul3A_146 = arith.muli %scan3A_144, %mul3A_145 : i32
      %multiple_of3A_147 = tpu.assume_multiple %mul3A_146, 16 : i32
      %get3A_148 = arith.index_cast %multiple_of3A_147 : i32 to index
      %get3A_149 = tpu.vector_load %arg8[%get3A_148] {strides = array<i32>} : memref<2048xf32, #tpu.memory_space<vmem>>, vector<16xf32>,
      %get3A_150 = vector.shape_cast %get3A_149 : vector<16xf32> to vector<16xf32>
      %add3A_151 = arith.constant 512 : i32
      %add3A_152 = arith.addi %add3A_151, %multiple_of3A_147 : i32
      %get3A_153 = arith.index_cast %add3A_152 : i32 to index
      %get3A_154 = tpu.vector_load %arg8[%get3A_153] {strides = array<i32>} : memref<2048xf32, #tpu.memory_space<vmem>>, vector<16xf32>,
      %get3A_155 = vector.shape_cast %get3A_154 : vector<16xf32> to vector<16xf32>
      %add3A_156 = arith.constant 1024 : i32
      %add3A_157 = arith.addi %add3A_156, %multiple_of3A_147 : i32
      %get3A_158 = arith.index_cast %add3A_157 : i32 to index
      %get3A_159 = tpu.vector_load %arg8[%get3A_158] {strides = array<i32>} : memref<2048xf32, #tpu.memory_space<vmem>>, vector<16xf32>,
      %get3A_160 = vector.shape_cast %get3A_159 : vector<16xf32> to vector<16xf32>
      %exp3A_161 = math.exp %get3A_155 : vector<16xf32>
      %mul3A_162 = arith.mulf %exp3A_161, %get3A_160 : vector<16xf32>
      %add3A_163 = arith.addf %get3A_150, %mul3A_162 : vector<16xf32>
      %mul3A_164 = arith.constant 2.30258512 : f32
      %mul3A_165 = vector.broadcast %mul3A_164 : f32 to vector<16xf32>
      %mul3A_166 = arith.mulf %add3A_163, %mul3A_165 : vector<16xf32>
      %exp3A_167 = math.exp %mul3A_166 : vector<16xf32>
      %add3A_168 = arith.constant 1536 : i32
      %add3A_169 = arith.addi %add3A_168, %multiple_of3A_147 : i32
      %swap3A_170 = arith.index_cast %add3A_169 : i32 to index
      %swap3A_171 = tpu.vector_load %arg8[%swap3A_170] {strides = array<i32>} : memref<2048xf32, #tpu.memory_space<vmem>>, vector<16xf32>,
      %swap3A_172 = vector.shape_cast %swap3A_171 : vector<16xf32> to vector<16xf32>
      %swap3A_173 = vector.shape_cast %exp3A_167 : vector<16xf32> to vector<16xf32>
      tpu.vector_store %arg8[%swap3A_170], %swap3A_173 {strides = array<i32>} : memref<2048xf32, #tpu.memory_space<vmem>>, vector<16xf32>,
      %scan3A_174 = arith.constant 3 : i32
      %scan3A_175 = arith.addi %scan3A_86, %scan3A_174 : i32
      %mul3A_176 = arith.constant 16 : i32
      %mul3A_177 = arith.muli %scan3A_175, %mul3A_176 : i32
      %multiple_of3A_178 = tpu.assume_multiple %mul3A_177, 16 : i32
      %get3A_179 = arith.index_cast %multiple_of3A_178 : i32 to index
      %get3A_180 = tpu.vector_load %arg8[%get3A_179] {strides = array<i32>} : memref<2048xf32, #tpu.memory_space<vmem>>, vector<16xf32>,
      %get3A_181 = vector.shape_cast %get3A_180 : vector<16xf32> to vector<16xf32>
      %add3A_182 = arith.constant 512 : i32
      %add3A_183 = arith.addi %add3A_182, %multiple_of3A_178 : i32
      %get3A_184 = arith.index_cast %add3A_183 : i32 to index
      %get3A_185 = tpu.vector_load %arg8[%get3A_184] {strides = array<i32>} : memref<2048xf32, #tpu.memory_space<vmem>>, vector<16xf32>,
      %get3A_186 = vector.shape_cast %get3A_185 : vector<16xf32> to vector<16xf32>
      %add3A_187 = arith.constant 1024 : i32
      %add3A_188 = arith.addi %add3A_187, %multiple_of3A_178 : i32
      %get3A_189 = arith.index_cast %add3A_188 : i32 to index
      %get3A_190 = tpu.vector_load %arg8[%get3A_189] {strides = array<i32>} : memref<2048xf32, #tpu.memory_space<vmem>>, vector<16xf32>,
      %get3A_191 = vector.shape_cast %get3A_190 : vector<16xf32> to vector<16xf32>
      %exp3A_192 = math.exp %get3A_186 : vector<16xf32>
      %mul3A_193 = arith.mulf %exp3A_192, %get3A_191 : vector<16xf32>
      %add3A_194 = arith.addf %get3A_181, %mul3A_193 : vector<16xf32>
      %mul3A_195 = arith.constant 2.30258512 : f32
      %mul3A_196 = vector.broadcast %mul3A_195 : f32 to vector<16xf32>
      %mul3A_197 = arith.mulf %add3A_194, %mul3A_196 : vector<16xf32>
      %exp3A_198 = math.exp %mul3A_197 : vector<16xf32>
      %add3A_199 = arith.constant 1536 : i32
      %add3A_200 = arith.addi %add3A_199, %multiple_of3A_178 : i32
      %swap3A_201 = arith.index_cast %add3A_200 : i32 to index
      %swap3A_202 = tpu.vector_load %arg8[%swap3A_201] {strides = array<i32>} : memref<2048xf32, #tpu.memory_space<vmem>>, vector<16xf32>,
      %swap3A_203 = vector.shape_cast %swap3A_202 : vector<16xf32> to vector<16xf32>
      %swap3A_204 = vector.shape_cast %exp3A_198 : vector<16xf32> to vector<16xf32>
      tpu.vector_store %arg8[%swap3A_201], %swap3A_204 {strides = array<i32>} : memref<2048xf32, #tpu.memory_space<vmem>>, vector<16xf32>,
    }
    %scan3A_85 = arith.constant 32 : i32
    "tpu.region"() ({
      %run_scoped3A = tpu.sem_alloc : memref<!tpu.dma_semaphore, #tpu.memory_space<semaphore_mem>>
      %dma_start3A_86 = arith.constant 1536 : i32
      %dma_start3A_87 = tpu.memref_slice %arg8[%dma_start3A_86] : memref<2048xf32, #tpu.memory_space<vmem>> -> memref<512xf32, #tpu.memory_space<vmem>>
      %dma_start3A_88 = tpu.memref_slice %arg6[%mul3A_4] : memref<16384xf32, #tpu.memory_space<hbm>> -> memref<512xf32, #tpu.memory_space<hbm>>
      %dma_start3A_89 = tpu.memref_slice %arg6[%mul3A_4] : memref<16384xf32, #tpu.memory_space<hbm>> -> memref<512xf32, #tpu.memory_space<hbm>>
      %dma_start3A_90 = arith.constant 1536 : i32
      %dma_start3A_91 = tpu.memref_slice %arg8[%dma_start3A_90] : memref<2048xf32, #tpu.memory_space<vmem>> -> memref<512xf32, #tpu.memory_space<vmem>>
      tpu.enqueue_dma source(%dma_start3A_91 : memref<512xf32, #tpu.memory_space<vmem>>) target(%dma_start3A_89 : memref<512xf32, #tpu.memory_space<hbm>>) target_semaphore(%run_scoped3A : memref<!tpu.dma_semaphore, #tpu.memory_space<semaphore_mem>>)
      %dma_wait3A_92 = arith.constant 1536 : i32
      %dma_wait3A_93 = tpu.memref_slice %arg8[%dma_wait3A_92] : memref<2048xf32, #tpu.memory_space<vmem>> -> memref<512xf32, #tpu.memory_space<vmem>>
      %dma_wait3A_94 = tpu.memref_slice %arg6[%mul3A_4] : memref<16384xf32, #tpu.memory_space<hbm>> -> memref<512xf32, #tpu.memory_space<hbm>>
      %dma_wait3A_95 = tpu.memref_slice %arg6[%mul3A_4] : memref<16384xf32, #tpu.memory_space<hbm>> -> memref<512xf32, #tpu.memory_space<hbm>>
      %dma_wait3A_96 = arith.constant 1536 : i32
      %dma_wait3A_97 = tpu.memref_slice %arg8[%dma_wait3A_96] : memref<2048xf32, #tpu.memory_space<vmem>> -> memref<512xf32, #tpu.memory_space<vmem>>
      tpu.wait_dma2 semaphore(%run_scoped3A : memref<!tpu.dma_semaphore, #tpu.memory_space<semaphore_mem>>) src(%dma_wait3A_97 : memref<512xf32, #tpu.memory_space<vmem>>) dst(%dma_wait3A_95 : memref<512xf32, #tpu.memory_space<hbm>>)
      tpu.yield
    }) : () -> ()
    return
  }
}

</mosaic_0001>

<sc_bundles>
// kernel: kernel.3.cloned.1.call-start
scs
__scs_entry_jumppad:
0x0: {  	(pc) =	sbr.rel $0x88, $3  }
0x1: {  	(tag) =	ssettag $0x0;
	lr =	simm.s32 $0x1  }
0x2: {  	[smem:$0x3F9D] =	sst lr;
	_ =	strace $0xD0000000  }
0x3: {  	_ = 	snop  }
0x4: {  	_ = 	snop  }
0x5: {  	_ = 	snop  }
0x6: {  	_ = 	snop  }
0x7: {  	_ = 	snop  }
__scs_overlays_trampoline_lowered:
0x8: {  	[smem:$0x3FAC] =	sst s0  }
0x9: {  	[smem:$0x3FAD] =	sst s1  }
0xa: {  	[smem:$0x3FAE] =	sst s2  }
0xb: {  	[smem:$0x3FAF] =	sst s3  }
0xc: {  	[smem:$0x3FB0] =	sst s4  }
0xd: {  	[smem:$0x3FB1] =	sst s5  }
0xe: {  	[smem:$0x3FB2] =	sst s6  }
0xf: {  	[smem:$0x3FB3] =	sst s7  }
0x10: {  	[smem:$0x3FB4] =	sst s8  }
0x11: {  	[smem:$0x3FB5] =	sst s9;
	s0 =	simm.s32 @!p0 $0x0  }
0x12: {  	s1 =	sld [smem:$0x3F9B];
	s0 =	simm.s32 @p0 $0x1  }
0x13: {  	[smem:$0x3FB6] =	sst s0;
	s0 =	simm.s32 @!p1 $0x0  }
0x14: {  	s2 =	sld [smem:$0x3F9A];
	s0 =	simm.s32 @p1 $0x1  }
0x15: {  	[smem:$0x3FB7] =	sst s0;
	s0 =	simm.s32 @!p2 $0x0  }
0x16: {  	s3 =	sld [smem:$0x3FDB];
	s0 =	simm.s32 @p2 $0x1  }
0x17: {  	s4 =	simm.s32 $0x1BF5;
	[smem:$0x3FB9] =	sst s0  }
0x18: {  	s0 =	sld [smem:$0x3F9C];
	_ =	swait.ge [sflag:s4], $0x0  }
0x19: {  	s7 =	sld [smem:$0x3F9D]  }
0x1a: {  	s8 =	sadd.s32 $0xFFFFE003, lr  }
0x1b: {  	s9 =	sadd.s32 $0xFFFFFEF7, lr;
	s5 =	simm.s32 $0xFFFFFFFF;
	p2 =	slt.u32 s8, $0xFFFFF086  }
0x1c: {  	p1 =	slt.u32 s9, $0xF7A;
	s5 =	simm.s32 @!p2 $0x0  }
0x1d: {  	s5 =	simm.s32 @p1 $0x1;
	p0 =	seq.s32 s7, s2  }
0x1e: {  	s7 =	smul.u32 @!p0 $0xF7A, s2;
	p2 =	seq.s32 @!p0 s5, $0x0  }
0x1f: {  	s9 =	smul.u32 $0xF7A, s1;
	s8 =	simm.s32 @!p0 $0x1BF5;
	p2 =	por !p2, p0  }
0x20: {  	[sflag:s8] =	ssyncset.s32 @!p0 $0xFFFFF086;
	s6 =	sadd.s32 @!p0 s3, s7;
	s7 =	simm.s32 @!p0 $0x108  }
0x21: {  	s3 =	sadd.s32 s3, s9;
	s6 =	sadd.s32 @!p0 $0x88, s6;
	s7 =	simm.s32 @p2 $0x1082  }
0x22: {  	[simem:s7], [sflag:s8] =	dma.local @!p0 [hbm:s6], $0xF7A  }
0x23: {  	s9 =	sor.u32 $0xD0000000, s2;
	s6 =	simm.s32 $0x108;
	_ =	swait.ge @!p0 [sflag:s8], $0x0  }
0x24: {  	s3 =	sadd.s32 $0x88, s3;
	s6 =	simm.s32 @!p1 $0x1082;
	[sflag:s4] =	ssyncset.s32 $0xFFFFF086  }
0x25: {  	[simem:s6], [sflag:s4] =	dma.local [hbm:s3], $0xF7A  }
0x26: {  	[smem:$0x3F9D] =	sst s1;
	(tag) =	ssettag s2;
	_ =	strace s9  }
0x27: {  	s1 =	sld [smem:$0x3FAD]  }
0x28: {  	s2 =	sld [smem:$0x3FAE]  }
0x29: {  	s4 =	sld [smem:$0x3FB0]  }
0x2a: {  	p0 =	seq.s32 s5, $0x0;
	s5 =	sld [smem:$0x3FB1]  }
0x2b: {  	s6 =	sld [smem:$0x3FB2]  }
0x2c: {  	s7 =	sld [smem:$0x3FB3]  }
0x2d: {  	s3 =	simm.s32 $0x108;
	s8 =	sld [smem:$0x3FB4]  }
0x2e: {  	s3 =	simm.s32 @!p0 $0x1082;
	s9 =	sld [smem:$0x3FB5]  }
0x2f: {  	lr =	sadd.s32 s0, s3;
	s0 =	sld [smem:$0x3FAC]  }
0x30: {  	s3 =	sld [smem:$0x3FAF]  }
0x31: {  	[smem:$0x3FB8] =	sst s10  }
0x32: {  	s10 =	sld [smem:$0x3FB6];
	_ =	sdelay $0x3  }
0x33: {  	p0 =	seq.s32 s10, $0x1;
	s10 =	sld [smem:$0x3FB8];
	_ =	sdelay $0x3  }
0x34: {  	[smem:$0x3FB8] =	sst s10  }
0x35: {  	s10 =	sld [smem:$0x3FB7];
	_ =	sdelay $0x3  }
0x36: {  	p1 =	seq.s32 s10, $0x1;
	s10 =	sld [smem:$0x3FB8];
	_ =	sdelay $0x3  }
0x37: {  	[smem:$0x3FB8] =	sst s10  }
0x38: {  	s10 =	sld [smem:$0x3FB9]  }
0x39: {  	_ = 	snop;
	(pc) =	sbr.ind lr, $3  }
0x3a: {  	_ = 	snop  }
0x3b: {  	_ = 	snop  }
0x3c: {  	p2 =	seq.s32 s10, $0x1;
	s10 =	sld [smem:$0x3FB8]  }
0x3d: {  	_ =	shalt  }
0x3e: {  	_ =	shalt  }
0x3f: {  	_ =	shalt  }
0x40: {  	_ =	shalt  }
0x41: {  	_ =	shalt  }
0x42: {  	_ =	shalt  }
0x43: {  	_ =	shalt  }
0x44: {  	_ =	shalt  }
0x45: {  	_ =	shalt  }
0x46: {  	_ =	shalt  }
0x47: {  	_ =	shalt  }
0x48: {  	_ =	shalt  }
0x49: {  	_ =	shalt  }
0x4a: {  	_ =	shalt  }
0x4b: {  	_ =	shalt  }
0x4c: {  	_ =	shalt  }
0x4d: {  	_ =	shalt  }
0x4e: {  	_ =	shalt  }
0x4f: {  	_ =	shalt  }
0x50: {  	_ =	shalt  }
0x51: {  	_ =	shalt  }
0x52: {  	_ =	shalt  }
0x53: {  	_ =	shalt  }
0x54: {  	_ =	shalt  }
0x55: {  	_ =	shalt  }
0x56: {  	_ =	shalt  }
0x57: {  	_ =	shalt  }
0x58: {  	_ =	shalt  }
0x59: {  	_ =	shalt  }
0x5a: {  	_ =	shalt  }
0x5b: {  	_ =	shalt  }
0x5c: {  	_ =	shalt  }
0x5d: {  	_ =	shalt  }
0x5e: {  	_ =	shalt  }
0x5f: {  	_ =	shalt  }
0x60: {  	_ =	shalt  }
0x61: {  	_ =	shalt  }
0x62: {  	_ =	shalt  }
0x63: {  	_ =	shalt  }
0x64: {  	_ =	shalt  }
0x65: {  	_ =	shalt  }
0x66: {  	_ =	shalt  }
0x67: {  	_ =	shalt  }
0x68: {  	_ =	shalt  }
0x69: {  	_ =	shalt  }
0x6a: {  	_ =	shalt  }
0x6b: {  	_ =	shalt  }
0x6c: {  	_ =	shalt  }
0x6d: {  	_ =	shalt  }
0x6e: {  	_ =	shalt  }
0x6f: {  	_ =	shalt  }
0x70: {  	_ =	shalt  }
0x71: {  	_ =	shalt  }
0x72: {  	_ =	shalt  }
0x73: {  	_ =	shalt  }
0x74: {  	_ =	shalt  }
0x75: {  	_ =	shalt  }
0x76: {  	_ =	shalt  }
0x77: {  	_ =	shalt  }
0x78: {  	_ =	shalt  }
0x79: {  	_ =	shalt  }
0x7a: {  	_ =	shalt  }
0x7b: {  	_ =	shalt  }
0x7c: {  	_ =	shalt  }
0x7d: {  	_ =	shalt  }
0x7e: {  	_ =	shalt  }
0x7f: {  	_ =	shalt  }
0x80: {  	_ =	shalt  }
0x81: {  	_ =	shalt  }
0x82: {  	_ =	shalt  }
0x83: {  	_ =	shalt  }
0x84: {  	_ =	shalt  }
0x85: {  	_ =	shalt  }
0x86: {  	_ =	shalt  }
0x87: {  	_ =	shalt  }
.Lfunc_end0:
.L_simem_size_0:
called_computation_lowered:
.L_overlay_start_0:
0x88: {  	s2 =	sld [smem:$0x3FD9]  }
0x89: {  	s3 =	sld [smem:$0x3FFE];
	_ =	sdelay $0x1  }
0x8a: {  	s1 =	srdreg.scid  }
0x8b: {  	s0 =	sand.u32 $0x1, s1  }
0x8c: {  	s18 =	sshll.u32 s0, $0xA;
	s2 =	sadd.s32 s3, s2  }
0x8d: {  	s2 =	sadd.s32 s2, s18  }
0x8e: {  	[smem:$0x3FC4] =	sst s2  }
0x8f: {  	_ = 	snop  }
0x90: {  	s2 =	sld [smem:$0x3FC9]  }
0x91: {  	s19 =	sld [smem:$0x3FC8]  }
0x92: {  	s4 =	sld [smem:$0x3FC7]  }
0x93: {  	s5 =	sld [smem:$0x3FC6]  }
0x94: {  	s6 =	sld [smem:$0x3FD0];
	(tm) =	ssettm $0x1  }
0x95: {  	s7 =	sld [smem:$0x3FFB];
	_ =	sdelay $0x3  }
0x96: {  	_ =	strace s7  }
0x97: {  	s7 =	sld [smem:$0x3FFC];
	_ =	sdelay $0x3  }
0x98: {  	_ =	strace s7  }
0x99: {  	s7 =	sld [smem:$0x3FFD];
	_ =	sdelay $0x3  }
0x9a: {  	_ =	strace s7  }
0x9b: {  	_ =	strace $0x8FFFFFFF  }
0x9c: {  	s20 =	sld [smem:$0x3FDB];
	_ =	sdelay $0x1  }
0x9d: {  	s8 =	simm.s32 $_scs_section_size  }
0x9e: {  	s9 =	simm.s32 $_size__tile_overlayer_lowered;
	s10 =	simm.s32 $_tile_overlayer_lowered  }
0x9f: {  	s23 =	simm.s32 $0x1BFF;
	s22 =	sshll.u32 s10, $0x1;
	s7 =	sadd.s32 s8, s20  }
0xa0: {  	s11 =	simm.s32 $0x0;
	s21 =	sshll.u32 s9, $0x1;
	s9 =	sadd.s32 s22, s7  }
0xa1: {  	[timem:s11], [sflag:s23] =	dma.local [hbm:s9], s21  }
0xa2: {  	_ =	swait.ge [sflag:s23], s21  }
0xa3: {  	s8 =	ssub.s32 $0x0, s21;
	[sflag:s23] =	ssyncset.done $0x0  }
0xa4: {  	[sflag:s23] =	ssyncadd.s32 s8;
	_ =	sdelay $0x1  }
0xa5: {  	s24 =	simm.s32 $0x1B8B  }
0xa6: {  	_ =	swait.ge [sflag:s24], $0x1  }
0xa7: {  	[sflag:s24] =	ssyncset.done $0x0  }
0xa8: {  	s25 =	simm.s32 $0x1B8E;
	[sflag:s24] =	ssyncadd.s32 $0xFFFFFFFF  }
0xa9: {  	s26 =	simm.s32 $execute0_lowered;
	[smem:$0x3FD2] =	sst s25  }
0xaa: {  	s8 =	sshll.u32 s26, $0x1;
	_ =	strace $0x80000046;
	[dreg:$0x1] =	wrdreg $0xFFFFFFFF  }
0xab: {  	s28 =	simm.s32 $_size_execute0_lowered;
	s7 =	sadd.s32 s7, s8;
	[dreg:$0x0] =	wrdreg $0x0  }
0xac: {  	s8 =	sshll.u32 s28, $0x1;
	[dreg:$0x2] =	wrdreg s7  }
0xad: {  	[dreg:$0x3] =	wrdreg s8  }
0xae: {  	[dreg:$0x4] =	wrdreg $0xC0  }
0xaf: {  	_ =	task [dreg:s11], $0x5FFFF  }
0xb0: {  	[dreg:$0x1] =	wrdreg $0xFFFFFFFF  }
0xb1: {  	[dreg:$0x0] =	wrdreg $0x60  }
0xb2: {  	[dreg:$0x2] =	wrdreg s2  }
0xb3: {  	[dreg:$0x3] =	wrdreg s19  }
0xb4: {  	[dreg:$0x4] =	wrdreg s4  }
0xb5: {  	[dreg:$0x5] =	wrdreg s5  }
0xb6: {  	[dreg:$0x6] =	wrdreg s6  }
0xb7: {  	[dreg:$0x7] =	wrdreg $0x9  }
0xb8: {  	_ =	task.clear_ibuf [dreg:s11], $0x8FFFF;
	_ =	strace $0x90000046  }
0xb9: {  	s29 =	simm.s32 $0x9;
	_ =	strace $0x80000048  }
0xba: {  	_ =	swait.ge [sflag:s29], $0x1  }
0xbb: {  	[sflag:s29] =	ssyncadd.s32 $0xFFFFFFFF  }
0xbc: {  	_ =	strace $0x90000048  }
0xbd: {  	_ =	sfence  }
0xbe: {  	s30 =	sld [smem:$0x0];
	_ =	sdelay $0x2  }
0xbf: {  	s31 =	sshll.u32 s1, $0xD;
	s1 =	sshrl.u32 s1, $0x2  }
0xc0: {  	s3 =	sand.u32 $0x4000, s31;
	s1 =	sadd.s32 s1, s30  }
0xc1: {  	s0 =	sor.u32 s3, s0;
	s1 =	sshll.u32 s1, $0x11  }
0xc2: {  	s0 =	sor.u32 s1, s0  }
0xc3: {  	s0 =	sadd.s32 $0x8F2B, s0  }
0xc4: {  	[sflag:s0] =	ssyncadd.remote.s32 $0x1  }
0xc5: {  	_ =	sfence.sel $0xFFFF  }
0xc6: {  	[dreg:$0x0] =	wrdreg $0xFFFFFFFF;
	(pc) =	sbr.abs _section_cstart, $3  }
0xc7: {  	[dreg:$0x1] =	wrdreg $0xFFFFFFFF  }
0xc8: {  	_ =	task.clear_ibuf [dreg:s11], $0x2FFFF;
	_ =	strace $0x9FFFFFFF  }
0xc9: {  	(tm) =	ssettm $0x7FFFFFFF  }
tec
execute0_lowered:
.L_overlay_start_1:
0x0: {  	(tag) =	ssettag $0x1  }
0x1: {  	s5 =	rddreg [dreg:$0x0]  }
0x2: {  	s1 =	rddreg [dreg:$0x1]  }
0x3: {  	s2 =	rddreg [dreg:$0x2]  }
0x4: {  	s6 =	rddreg [dreg:$0x3]  }
0x5: {  	s7 =	rddreg [dreg:$0x4]  }
0x6: {  	s0 =	rddreg [dreg:$0x5]  }
0x7: {  	s4 =	simm.s32 $0x0;
	s8 =	srdreg.scid;
	s3 =	stileid.u32  }
0x8: {  	s13 =	simm.s32 $0x400;
	s14 =	simm.s32 $0x280;
	s15 =	simm.s32 $0x480  }
0x9: {  	s16 =	simm.s32 $0x100;
	s17 =	simm.s32 $0x300;
	s18 =	simm.s32 $0x500  }
0xa: {  	s19 =	simm.s32 $0x180;
	s20 =	simm.s32 $0x380;
	s21 =	simm.s32 $0x580  }
0xb: {  	s22 =	simm.s32 $0x1;
	s23 =	simm.s32 $0x800;
	s24 =	simm.s32 $0x0  }
0xc: {  	[smem:$0x7FF] =	sst s4;
	s8 =	sand.u32 $0x1, s8;
	s10 =	sshll.u32 s3, $0x7  }
0xd: {  	_ =	strace $0x80000047;
	s9 =	ssub.s32 $0x2, s8;
	s8 =	sshll.u32 s8, $0x6  }
0xe: {  	s11 =	sshrl.u32 s9, $0x1;
	s12 =	sor.u32 s8, s10;
	s8 =	sadd.s32 s5, s8  }
0xf: {  	s9 =	ssub.s32 s9, s11;
	s5 =	sadd.s32 s6, s12;
	s6 =	sadd.s32 s10, s8  }
0x10: {  	s7 =	sadd.s32 s7, s12;
	s10 =	simm.s32 $0x2;
	s11 =	simm.s32 $0x80  }
0x11: {  	s12 =	simm.s32 $0x200;
	s8 =	smax.u32 s9, $0x1;
	s9 =	simm.s32 $0x600  }
.LBB2_1:
0x12: {  	[tilespmem:s9], [sflag:$0x1] =	stream.linear.gather [hbm4b:s5+s4], $0x200, $0x38;
	[tilespmem:$0xA00] =	vst v63  }
0x13: {  	_ = 	snop  }
0x14: {  	[tilespmem:s4], [sflag:$0x2] =	stream.linear.gather [hbm4b:s6+s4], $0x200, $0x38;
	[tilespmem:$0xA00] =	vst v63  }
0x15: {  	_ =	swait.ge [sflag:s10], $0x200  }
0x16: {  	[sflag:s10] =	ssyncset.done $0x0  }
0x17: {  	[sflag:s10] =	ssyncadd.s32 $0xFFFFFE00  }
0x18: {  	[tilespmem:s12], [sflag:$0x1] =	stream.indirect.gather [hbm4b:s1+s11], $0x1, s4, s11, $0xb8;
	[tilespmem:$0xA00] =	vst v63  }
0x19: {  	_ = 	snop  }
0x1a: {  	[tilespmem:s13], [sflag:$0x1] =	stream.indirect.gather [hbm4b:s2+s11], $0x1, s4, s11, $0xb8;
	[tilespmem:$0xA00] =	vst v63  }
0x1b: {  	_ = 	snop  }
0x1c: {  	[tilespmem:s14], [sflag:$0x1] =	stream.indirect.gather [hbm4b:s1+s11], $0x1, s11, s11, $0xb8;
	[tilespmem:$0xA00] =	vst v63  }
0x1d: {  	_ = 	snop  }
0x1e: {  	[tilespmem:s15], [sflag:$0x1] =	stream.indirect.gather [hbm4b:s2+s11], $0x1, s11, s11, $0xb8;
	[tilespmem:$0xA00] =	vst v63  }
0x1f: {  	_ = 	snop  }
0x20: {  	[tilespmem:s17], [sflag:$0x1] =	stream.indirect.gather [hbm4b:s1+s11], $0x1, s16, s11, $0xb8;
	[tilespmem:$0xA00] =	vst v63  }
0x21: {  	_ = 	snop  }
0x22: {  	[tilespmem:s18], [sflag:$0x1] =	stream.indirect.gather [hbm4b:s2+s11], $0x1, s16, s11, $0xb8;
	[tilespmem:$0xA00] =	vst v63  }
0x23: {  	_ = 	snop  }
0x24: {  	[tilespmem:s20], [sflag:$0x1] =	stream.indirect.gather [hbm4b:s1+s11], $0x1, s19, s11, $0xb8;
	[tilespmem:$0xA00] =	vst v63  }
0x25: {  	_ = 	snop  }
0x26: {  	[tilespmem:s21], [sflag:$0x1] =	stream.indirect.gather [hbm4b:s2+s11], $0x1, s19, s11, $0xb8;
	[tilespmem:$0xA00] =	vst v63  }
0x27: {  	_ =	swait.ge [sflag:s22], $0x600  }
0x28: {  	[sflag:s22] =	ssyncset.done $0x0  }
0x29: {  	s26 =	sand.u32 $0x1C0, s4;
	[sflag:s22] =	ssyncadd.s32 $0xFFFFFA00  }
0x2a: {  	v0 =	vld [tilespmem:s26+$0x400];
	_ =	sdelay $0x4  }
0x2b: {  	v0 =	vmul.f32 $1.442695020e+00, v0;
	_ =	sdelay $0x1  }
0x2c: {  	(erf) = vpow2.f32 v0;
	_ =	sdelay $0x4  }
0x2d: {  	v0 =	vld [tilespmem:s26+$0x600]  }
0x2e: {  	s25 =	simm.s32 $0x610  }
0x2f: {  	v1 =	vld [tilespmem:s25+$0xFFFFFBF0];
	_ =	sdelay $0x1  }
0x30: {  	v2 =	vpop (erf)  }
0x31: {  	v0 =	vmul.f32 v2, v0;
	_ =	sdelay $0x1  }
0x32: {  	v0 =	vadd.f32 v0, v1;
	_ =	sdelay $0x1  }
0x33: {  	v0 =	vmul.f32 $2.302585120e+00, v0;
	_ =	sdelay $0x1  }
0x34: {  	v0 =	vmul.f32 $1.442695020e+00, v0;
	_ =	sdelay $0x1  }
0x35: {  	(erf) = vpow2.f32 v0;
	_ =	sdelay $0x8  }
0x36: {  	v0 =	vpop (erf)  }
0x37: {  	[tilespmem:s26+$0x800] =	vst v0  }
0x38: {  	v0 =	vld [tilespmem:s25+$0xFFFFFE20];
	_ =	sdelay $0x4  }
0x39: {  	v0 =	vmul.f32 $1.442695020e+00, v0;
	_ =	sdelay $0x1  }
0x3a: {  	(erf) = vpow2.f32 v0;
	v0 =	vld [tilespmem:s25+$0xFFFFFE00]  }
0x3b: {  	v1 =	vld [tilespmem:s25+$0xFFFFFE10];
	_ =	sdelay $0x3  }
0x3c: {  	v2 =	vld [tilespmem:s25+$0x20];
	v0 =	vmul.f32 $1.442695020e+00, v0  }
0x3d: {  	v1 =	vmul.f32 $1.442695020e+00, v1  }
0x3e: {  	v3 =	vld [tilespmem:s25+$0xFFFFFC20];
	(erf) = vpow2.f32 v0  }
0x3f: {  	(erf) = vpow2.f32 v1  }
0x40: {  	v0 =	vpop (erf)  }
0x41: {  	v0 =	vmul.f32 v0, v2;
	_ =	sdelay $0x1  }
0x42: {  	v1 =	vld [tilespmem:s25+$0x0];
	v0 =	vadd.f32 v0, v3  }
0x43: {  	v2 =	vld [tilespmem:s25+$0x10]  }
0x44: {  	v3 =	vld [tilespmem:s25+$0xFFFFFC00];
	v0 =	vmul.f32 $2.302585120e+00, v0  }
0x45: {  	v4 =	vld [tilespmem:s25+$0xFFFFFC10]  }
0x46: {  	v0 =	vmul.f32 $1.442695020e+00, v0;
	v5 =	vpop (erf)  }
0x47: {  	v1 =	vmul.f32 v5, v1;
	v63 =	vpop (erf)  }
0x48: {  	(erf) = vpow2.f32 v0;
	v0 =	vmul.f32 v63, v2  }
0x49: {  	v1 =	vadd.f32 v1, v3  }
0x4a: {  	v0 =	vadd.f32 v0, v4  }
0x4b: {  	v1 =	vmul.f32 $2.302585120e+00, v1  }
0x4c: {  	v0 =	vmul.f32 $2.302585120e+00, v0  }
0x4d: {  	v1 =	vmul.f32 $1.442695020e+00, v1  }
0x4e: {  	v0 =	vmul.f32 $1.442695020e+00, v0  }
0x4f: {  	(erf) = vpow2.f32 v1  }
0x50: {  	(erf) = vpow2.f32 v0;
	_ =	sdelay $0x6  }
0x51: {  	s28 =	simm.s32 $0x0;
	s29 =	simm.s32 $0x610;
	s26 =	simm.s32 $0x0;
	v0 =	vpop (erf)  }
.LBB2_2:
0x52: {  	s26 =	sadd.s32 $0x4, s26;
	[tilespmem:s25+$0x220] =	vst v0;
	s28 =	sadd.s32 $0x40, s28;
	s29 =	sadd.s32 $0x40, s29;
	v0 =	vpop (erf)  }
0x53: {  	p0 =	slt.u32 s26, $0x1C;
	[tilespmem:s25+$0x200] =	vst v0;
	v0 =	vpop (erf)  }
0x54: {  	s30 =	sand.u32 $0x1C0, s28;
	[tilespmem:s25+$0x210] =	vst v0;
	s25 =	smov.u32 s29  }
0x55: {  	v0 =	vld [tilespmem:s30+$0x400];
	_ =	sdelay $0x4  }
0x56: {  	v0 =	vmul.f32 $1.442695020e+00, v0;
	_ =	sdelay $0x1  }
0x57: {  	(erf) = vpow2.f32 v0;
	_ =	sdelay $0x4  }
0x58: {  	v0 =	vld [tilespmem:s30+$0x600];
	_ =	sdelay $0x1  }
0x59: {  	v1 =	vld [tilespmem:s29+$0xFFFFFBF0];
	_ =	sdelay $0x1  }
0x5a: {  	v2 =	vpop (erf)  }
0x5b: {  	v0 =	vmul.f32 v2, v0;
	_ =	sdelay $0x1  }
0x5c: {  	v0 =	vadd.f32 v0, v1;
	_ =	sdelay $0x1  }
0x5d: {  	v0 =	vmul.f32 $2.302585120e+00, v0;
	_ =	sdelay $0x1  }
0x5e: {  	v0 =	vmul.f32 $1.442695020e+00, v0;
	_ =	sdelay $0x1  }
0x5f: {  	(erf) = vpow2.f32 v0;
	_ =	sdelay $0x8  }
0x60: {  	v0 =	vpop (erf)  }
0x61: {  	[tilespmem:s30+$0x800] =	vst v0  }
0x62: {  	v0 =	vld [tilespmem:s29+$0xFFFFFE20]  }
0x63: {  	v1 =	vld [tilespmem:s29+$0xFFFFFE00]  }
0x64: {  	v2 =	vld [tilespmem:s29+$0xFFFFFE10];
	_ =	sdelay $0x2  }
0x65: {  	v0 =	vmul.f32 $1.442695020e+00, v0  }
0x66: {  	v1 =	vmul.f32 $1.442695020e+00, v1  }
0x67: {  	v2 =	vmul.f32 $1.442695020e+00, v2;
	(erf) = vpow2.f32 v0  }
0x68: {  	(erf) = vpow2.f32 v1  }
0x69: {  	(erf) = vpow2.f32 v2  }
0x6a: {  	v0 =	vld [tilespmem:s29+$0xFFFFFC20]  }
0x6b: {  	v1 =	vld [tilespmem:s29+$0x20]  }
0x6c: {  	v2 =	vld [tilespmem:s29+$0x10]  }
0x6d: {  	v3 =	vld [tilespmem:s29+$0x0]  }
0x6e: {  	v4 =	vld [tilespmem:s29+$0xFFFFFC10]  }
0x6f: {  	v5 =	vld [tilespmem:s29+$0xFFFFFC00]  }
0x70: {  	v6 =	vpop (erf)  }
0x71: {  	v1 =	vmul.f32 v6, v1;
	v6 =	vpop (erf)  }
0x72: {  	v3 =	vmul.f32 v6, v3;
	v6 =	vpop (erf)  }
0x73: {  	v2 =	vmul.f32 v6, v2;
	v0 =	vadd.f32 v1, v0  }
0x74: {  	v1 =	vadd.f32 v3, v5  }
0x75: {  	v2 =	vadd.f32 v2, v4;
	v0 =	vmul.f32 $2.302585120e+00, v0  }
0x76: {  	v1 =	vmul.f32 $2.302585120e+00, v1  }
0x77: {  	v2 =	vmul.f32 $2.302585120e+00, v2;
	v0 =	vmul.f32 $1.442695020e+00, v0  }
0x78: {  	v1 =	vmul.f32 $1.442695020e+00, v1  }
0x79: {  	v2 =	vmul.f32 $1.442695020e+00, v2;
	(erf) = vpow2.f32 v0  }
0x7a: {  	(erf) = vpow2.f32 v1  }
0x7b: {  	(erf) = vpow2.f32 v2;
	_ =	sdelay $0x2  }
.Ltmp0:
0x7c: {  	(pc) =	sbr.rel @p0 .LBB2_2-.Ltmp0, $2  }
0x7d: {  	_ =	sdelay $0x2  }
0x7e: {  	v0 =	vpop (erf)  }
0x7f: {  	[tilespmem:s25+$0x220] =	vst v0;
	v62 =	vpop (erf);
	s24 =	sadd.s32 $0x1, s24  }
0x80: {  	[tilespmem:s25+$0x200] =	vst v62;
	v63 =	vpop (erf);
	p0 =	sne.s32 s24, s8  }
.Ltmp1:
0x81: {  	[tilespmem:s25+$0x210] =	vst v63;
	(pc) =	sbr.rel @p0 .LBB2_1-.Ltmp1, $4  }
0x82: {  	[hbm4b:s7+s4] =	stream.linear.scatter [tilespmem:s23], [sflag:$0x2], $0x200, $0x38;
	[tilespmem:$0xA00] =	vst v63  }
0x83: {  	_ =	swait.ge [sflag:s10], $0x200  }
0x84: {  	[sflag:s10] =	ssyncset.done $0x0  }
0x85: {  	[sflag:s10] =	ssyncadd.s32 $0xFFFFFE00  }
0x86: {  	_ =	sfence.sel $0x180000  }
0x87: {  	[bflag:$0x0] =	sbarrier.arrive $0xFFFF  }
0x88: {  	p0 =	sne.s32 s3, $0x0;
	_ =	strace $0x90000047  }
0x89: {  	s0 =	sadd.s32 @!p0 $0x100000, s0;
	[bflag:$0x2] =	sbarrier.arrive $0xFFFF  }
0x8a: {  	[sflag:s0] =	ssyncadd.tile.s32 @!p0 $0x1;
	_ =	shalt  }
.Lfunc_end2:
_tile_overlayer_lowered:
.L_overlay_start_2:
0x8b: {  	(tag) =	ssettag $0x2  }
0x8c: {  	s0 =	rddreg [dreg:$0x0];
	s2 =	stileid.u32  }
0x8d: {  	s1 =	rddreg [dreg:$0x1];
	p0 =	sne.s32 s2, $0x0  }
0x8e: {  	s3 =	rddreg [dreg:$0x2];
	[bflag:$0x3] =	sbarrier.arrive $0xFFFF;
	s2 =	simm.s32 @!p0 $0x1C02  }
0x8f: {  	[timem:s3], [sflag:s2] =	dma.local @!p0 [hbm:s0], s1  }
0x90: {  	s0 =	simm.s32 @!p0 $0x2  }
0x91: {  	_ =	swait.ge @!p0 [sflag:s0], s1  }
0x92: {  	s1 =	ssub.s32 @!p0 $0x0, s1;
	[sflag:s0] =	ssyncset.done @!p0 $0x0  }
0x93: {  	[sflag:s0] =	ssyncadd.s32 @!p0 s1  }
0x94: {  	[bflag:$0x3] =	sbarrier.arrive $0xFFFF  }
0x95: {  	_ =	shalt  }

</sc_bundles>
